<compile_context>
chip_gen: v7x
topology: tpu7x:2x2x1
jax: 0.10.2.dev20260603
libtpu: 0.0.44.dev20260713+nightly
codegen_flags: <defaults>
</compile_context>

<pallas_src>
import functools

import jax
import jax.numpy as jnp
from jax import lax
from jax.experimental import pallas as pl
from jax.experimental.pallas import tpu as pltpu
from jax.experimental.pallas import tpu_sc as plsc

VOCAB = 1000000
DIM = 64
NDOCS = 16384
L = 200
LP = 256

NC = 2
NS = 16
NW = NC * NS
DPW = NDOCS // NW
CH = 16
NCHUNK = DPW // CH

VB = 25600
GRID = 40
VPAD = VB * GRID
KB = DIM * 128
QB = VB // 128
EB = VB * DIM // 128

DB = 2048


def _matvec_body(emb_ref, bd_ref, out_ref):
    a = emb_ref[...].reshape(QB, KB)
    out_ref[...] = jax.lax.dot_general(
        a, bd_ref[...], (((1,), (0,)), ((), ())),
        preferred_element_type=jnp.float32)


def _scores_tc(emb_flat2d, bdiag):
    out2d = pl.pallas_call(
        _matvec_body,
        grid=(GRID,),
        in_specs=[
            pl.BlockSpec((EB, 128), lambda i: (i, 0)),
            pl.BlockSpec((KB, 128), lambda i: (0, 0)),
        ],
        out_specs=pl.BlockSpec((QB, 128), lambda i: (i, 0)),
        out_shape=jax.ShapeDtypeStruct((VPAD // 128, 128), jnp.float32),
    )(emb_flat2d, bdiag)
    return out2d.reshape(-1)


def _pad_body(docs_ref, out_ref):
    out_ref[:, 0:L] = docs_ref[...]
    out_ref[:, L:LP] = jnp.zeros((DB, LP - L), jnp.int32)


def _pad_docs_tc(docs):
    padded = pl.pallas_call(
        _pad_body,
        grid=(NDOCS // DB,),
        in_specs=[pl.BlockSpec((DB, L), lambda i: (i, 0))],
        out_specs=pl.BlockSpec((DB, LP), lambda i: (i, 0)),
        out_shape=jax.ShapeDtypeStruct((NDOCS, LP), jnp.int32),
    )(docs)
    return padded.reshape(-1)


def _pool_sc(scores, docs1d, bias16):
    mesh = plsc.VectorSubcoreMesh(core_axis_name="c", subcore_axis_name="s")

    @functools.partial(
        pl.kernel,
        mesh=mesh,
        out_type=jax.ShapeDtypeStruct((NDOCS,), jnp.float32),
        scratch_types=[
            pltpu.VMEM((LP * CH,), jnp.int32),
            pltpu.VMEM((LP * CH,), jnp.float32),
            pltpu.VMEM((DPW,), jnp.float32),
            pltpu.VMEM((16,), jnp.float32),
            pltpu.SemaphoreType.DMA,
        ],
        compiler_params=pltpu.CompilerParams(needs_layout_passes=False),
    )
    def k(scores_hbm, docs_hbm, bias_hbm, out_hbm, idx_v, vals_v, res_v,
          bias_v, sem):
        wid = lax.axis_index("s") * NC + lax.axis_index("c")
        pltpu.sync_copy(bias_hbm, bias_v)
        bvec = bias_v[...]
        lane_doc = lax.iota(jnp.int32, 16) * LP

        def chunk_body(ci, _):
            flat = (wid * NCHUNK + ci) * (LP * CH)
            pltpu.sync_copy(docs_hbm.at[pl.ds(flat, LP * CH)], idx_v)
            pltpu.async_copy(scores_hbm.at[idx_v], vals_v, sem).wait()

            def red(l, acc):
                return acc + plsc.load_gather(vals_v, [lane_doc + l])

            acc = lax.fori_loop(0, L, red, jnp.zeros((CH,), jnp.float32))
            x = acc * (1.0 / L) + bvec
            res_v[pl.ds(ci * CH, CH)] = 1.0 / (1.0 + jnp.exp(-x))
            return 0

        lax.fori_loop(0, NCHUNK, chunk_body, 0)
        pltpu.sync_copy(res_v, out_hbm.at[pl.ds(wid * DPW, DPW)])

    return k(scores, docs1d, bias16)


def kernel(docs, thetas, emb, W, b):
    del thetas
    emb_flat2d = emb.reshape(-1, 128)
    bdiag = jnp.kron(jnp.eye(128, dtype=jnp.float32), W.astype(jnp.float32))
    bias16 = jnp.broadcast_to(b, (16,)).astype(jnp.float32)
    scores = _scores_tc(emb_flat2d, bdiag)
    docs1d = _pad_docs_tc(docs)
    return _pool_sc(scores, docs1d, bias16)

# --- scband reference (transcript-rebuilt; emitter-appended) ---
"""Pipeline reference for scband-sentiment-aware-embedding-model-83597243449651 (READ-ONLY COPY).

The authoritative reference and input builder live on the scoring server;
editing this copy changes nothing except your own understanding.
"""

import jax, jax.numpy as jnp
import numpy as np

VOCAB = 1000000
DIM = 64
B = 16384
L = 200

def setup_inputs(seed: int = 0) -> dict:
    key = jax.random.key(seed)
    k1, k2, k3, k4 = jax.random.split(key, 4)
    docs = jax.random.randint(k1, (B, L), 0, VOCAB, dtype=jnp.int32)
    thetas = jax.random.normal(k2, (B,), dtype=jnp.float32)
    emb = jax.random.normal(k3, (VOCAB, DIM), dtype=jnp.float32) * 0.02
    W = jax.random.normal(k4, (DIM, 1), dtype=jnp.float32) * 0.05
    b = jnp.zeros((1,), dtype=jnp.float32)
    return {"docs": docs, "thetas": thetas, "emb": emb, "W": W, "b": b}

def reference(docs, thetas, emb, W, b):
    # nn.Embedding lookup -> gather rows of the table
    word_vecs = jnp.take(emb, docs, axis=0)          # [B, L, DIM]
    avg_vec = word_vecs.mean(axis=1)                 # [B, DIM]
    sentiment_logits = (avg_vec @ W + b)[:, 0]       # Linear(dim,1).squeeze(1)
    sentiment_probs = jax.nn.sigmoid(sentiment_logits)
    return sentiment_probs

if __name__ == "__main__":
    import jax
    _d = setup_inputs()
    print(jax.jit(kernel)(*tuple(_d.values())))

</pallas_src>

<mosaic_0001>
#map = affine_map<(d0, d1) -> (0)>
module attributes {stable_mosaic.version = 14 : i64} {
  func.func @k(%arg0: i32, %arg1: i32, %arg2: memref<1024000xf32, #tpu.memory_space<hbm>>, %arg3: memref<4194304xi32, #tpu.memory_space<hbm>>, %arg4: memref<16xf32, #tpu.memory_space<hbm>>, %arg5: memref<16384xf32, #tpu.memory_space<hbm>>, %arg6: memref<4096xi32, #tpu.memory_space<vmem>>, %arg7: memref<4096xf32, #tpu.memory_space<vmem>>, %arg8: memref<512xf32, #tpu.memory_space<vmem>>, %arg9: memref<16xf32, #tpu.memory_space<vmem>>, %arg10: memref<!tpu.dma_semaphore, #tpu.memory_space<semaphore_mem>>) attributes {dimension_semantics = [#tpu.dimension_semantics<core_parallel>, #tpu.dimension_semantics<subcore_parallel>], iteration_bounds = array<i64: 2, 16>, scalar_prefetch = 0 : i64, scratch_operands = 5 : i64, tpu.core_type = #tpu.core_type<sc_vector_subcore>, window_params = [{transform_indices = #map}, {transform_indices = #map}, {transform_indices = #map}, {transform_indices = #map}]} {
    %mul3A = arith.constant 2 : i32
    %mul3A_0 = arith.muli %arg1, %mul3A : i32
    %add3A = arith.addi %mul3A_0, %arg0 : i32
    "tpu.region"() ({
      %run_scoped3A = tpu.sem_alloc : memref<!tpu.dma_semaphore, #tpu.memory_space<semaphore_mem>>
      tpu.enqueue_dma source(%arg4 : memref<16xf32, #tpu.memory_space<hbm>>) target(%arg9 : memref<16xf32, #tpu.memory_space<vmem>>) target_semaphore(%run_scoped3A : memref<!tpu.dma_semaphore, #tpu.memory_space<semaphore_mem>>)
      tpu.wait_dma2 semaphore(%run_scoped3A : memref<!tpu.dma_semaphore, #tpu.memory_space<semaphore_mem>>) src(%arg4 : memref<16xf32, #tpu.memory_space<hbm>>) dst(%arg9 : memref<16xf32, #tpu.memory_space<vmem>>)
      tpu.yield
    }) : () -> ()
    %get3A = arith.constant 0 : index
    %get3A_1 = tpu.vector_load %arg9[%get3A] {strides = array<i32>} : memref<16xf32, #tpu.memory_space<vmem>>, vector<16xf32>,
    %iota3A = tpu.iota {dimensions = array<i32: 0>} : vector<16xi32>
    %mul3A_2 = arith.constant 256 : i32
    %mul3A_3 = vector.broadcast %mul3A_2 : i32 to vector<16xi32>
    %mul3A_4 = arith.muli %iota3A, %mul3A_3 : vector<16xi32>
    %scan3A = arith.constant 0 : i32
    %scan3A_5 = arith.constant 0 : i32
    %scan3A_6 = arith.constant 32 : i32
    %scan3A_7 = arith.addi %scan3A_5, %scan3A_6 : i32
    %scan3A_8 = arith.constant 1 : i32
    %scan3A_9 = scf.for %scan3A_13 = %scan3A_5 to %scan3A_7 step %scan3A_8 iter_args(%scan3A_14 = %scan3A) -> (i32)  : i32 {
      %mul3A_15 = arith.constant 32 : i32
      %mul3A_16 = arith.muli %add3A, %mul3A_15 : i32
      %add3A_17 = arith.addi %mul3A_16, %scan3A_13 : i32
      %mul3A_18 = arith.constant 4096 : i32
      %mul3A_19 = arith.muli %add3A_17, %mul3A_18 : i32
      "tpu.region"() ({
        %run_scoped3A = tpu.sem_alloc : memref<!tpu.dma_semaphore, #tpu.memory_space<semaphore_mem>>
        %dma_start3A_44 = tpu.memref_slice %arg3[%mul3A_19] : memref<4194304xi32, #tpu.memory_space<hbm>> -> memref<4096xi32, #tpu.memory_space<hbm>>
        %dma_start3A_45 = tpu.memref_slice %arg3[%mul3A_19] : memref<4194304xi32, #tpu.memory_space<hbm>> -> memref<4096xi32, #tpu.memory_space<hbm>>
        tpu.enqueue_dma source(%dma_start3A_45 : memref<4096xi32, #tpu.memory_space<hbm>>) target(%arg6 : memref<4096xi32, #tpu.memory_space<vmem>>) target_semaphore(%run_scoped3A : memref<!tpu.dma_semaphore, #tpu.memory_space<semaphore_mem>>)
        %dma_wait3A_46 = tpu.memref_slice %arg3[%mul3A_19] : memref<4194304xi32, #tpu.memory_space<hbm>> -> memref<4096xi32, #tpu.memory_space<hbm>>
        %dma_wait3A_47 = tpu.memref_slice %arg3[%mul3A_19] : memref<4194304xi32, #tpu.memory_space<hbm>> -> memref<4096xi32, #tpu.memory_space<hbm>>
        tpu.wait_dma2 semaphore(%run_scoped3A : memref<!tpu.dma_semaphore, #tpu.memory_space<semaphore_mem>>) src(%dma_wait3A_47 : memref<4096xi32, #tpu.memory_space<hbm>>) dst(%arg6 : memref<4096xi32, #tpu.memory_space<vmem>>)
        tpu.yield
      }) : () -> ()
      %dma_start3A = arith.constant 0 : i32
      %dma_start3A_20 = tpu.memref_slice %arg2[%dma_start3A] : memref<1024000xf32, #tpu.memory_space<hbm>> -> memref<1024000xf32, #tpu.memory_space<hbm>>
      tpu.enqueue_indirect_dma source(%dma_start3A_20 : memref<1024000xf32, #tpu.memory_space<hbm>>) target(%arg7 : memref<4096xf32, #tpu.memory_space<vmem>>) offsets(%arg6 : memref<4096xi32, #tpu.memory_space<vmem>>) semaphore(%arg10 : memref<!tpu.dma_semaphore, #tpu.memory_space<semaphore_mem>>)
      %dma_wait3A = arith.constant 0 : i32
      %dma_wait3A_21 = tpu.memref_slice %arg2[%dma_wait3A] : memref<1024000xf32, #tpu.memory_space<hbm>> -> memref<1024000xf32, #tpu.memory_space<hbm>>
      tpu.wait_indirect_dma semaphore(%arg10 : memref<!tpu.dma_semaphore, #tpu.memory_space<semaphore_mem>>) src(%dma_wait3A_21 : memref<1024000xf32, #tpu.memory_space<hbm>>) dst(%arg7 : memref<4096xf32, #tpu.memory_space<vmem>>)
      %broadcast_in_dim3A = arith.constant 0.000000e+00 : f32
      %broadcast_in_dim3A_22 = vector.broadcast %broadcast_in_dim3A : f32 to vector<16xf32>
      %scan3A_23 = arith.constant 0 : i32
      %scan3A_24 = arith.constant 200 : i32
      %scan3A_25 = arith.addi %scan3A_23, %scan3A_24 : i32
      %scan3A_26 = arith.constant 1 : i32
      %scan3A_27 = scf.for %scan3A_44 = %scan3A_23 to %scan3A_25 step %scan3A_26 iter_args(%scan3A_45 = %broadcast_in_dim3A_22) -> (vector<16xf32>)  : i32 {
        %add3A_46 = vector.broadcast %scan3A_44 : i32 to vector<16xi32>
        %add3A_47 = arith.addi %mul3A_4, %add3A_46 : vector<16xi32>
        %gather3A = tpu.vector_load_idx %arg7[%add3A_47] : memref<4096xf32, #tpu.memory_space<vmem>>[vector<16xi32>], vector<16xf32>,
        %add3A_48 = arith.addf %scan3A_45, %gather3A : vector<16xf32>
        scf.yield %add3A_48 : vector<16xf32>
      }
      %scan3A_28 = arith.constant 200 : i32
      %mul3A_29 = arith.constant 5.000000e-03 : f32
      %mul3A_30 = vector.broadcast %mul3A_29 : f32 to vector<16xf32>
      %mul3A_31 = arith.mulf %scan3A_27, %mul3A_30 : vector<16xf32>
      %add3A_32 = arith.addf %mul3A_31, %get3A_1 : vector<16xf32>
      %neg3A = arith.constant 0.000000e+00 : f32
      %neg3A_33 = vector.broadcast %neg3A : f32 to vector<16xf32>
      %neg3A_34 = arith.subf %neg3A_33, %add3A_32 : vector<16xf32>
      %exp3A = math.exp %neg3A_34 : vector<16xf32>
      %add3A_35 = arith.constant 1.000000e+00 : f32
      %add3A_36 = vector.broadcast %add3A_35 : f32 to vector<16xf32>
      %add3A_37 = arith.addf %add3A_36, %exp3A : vector<16xf32>
      %div3A = arith.constant 1.000000e+00 : f32
      %div3A_38 = vector.broadcast %div3A : f32 to vector<16xf32>
      %div3A_39 = arith.divf %div3A_38, %add3A_37 : vector<16xf32>
      %mul3A_40 = arith.constant 16 : i32
      %mul3A_41 = arith.muli %scan3A_13, %mul3A_40 : i32
      %swap3A = arith.index_cast %mul3A_41 : i32 to index
      %swap3A_42 = tpu.vector_load %arg8[%swap3A] {strides = array<i32>} : memref<512xf32, #tpu.memory_space<vmem>>, vector<16xf32>,
      tpu.vector_store %arg8[%swap3A], %div3A_39 {strides = array<i32>} : memref<512xf32, #tpu.memory_space<vmem>>, vector<16xf32>,
      %scan3A_43 = arith.constant 0 : i32
      scf.yield %scan3A_43 : i32
    }
    %scan3A_10 = arith.constant 32 : i32
    %mul3A_11 = arith.constant 512 : i32
    %mul3A_12 = arith.muli %add3A, %mul3A_11 : i32
    "tpu.region"() ({
      %run_scoped3A = tpu.sem_alloc : memref<!tpu.dma_semaphore, #tpu.memory_space<semaphore_mem>>
      %dma_start3A = tpu.memref_slice %arg5[%mul3A_12] : memref<16384xf32, #tpu.memory_space<hbm>> -> memref<512xf32, #tpu.memory_space<hbm>>
      %dma_start3A_13 = tpu.memref_slice %arg5[%mul3A_12] : memref<16384xf32, #tpu.memory_space<hbm>> -> memref<512xf32, #tpu.memory_space<hbm>>
      tpu.enqueue_dma source(%arg8 : memref<512xf32, #tpu.memory_space<vmem>>) target(%dma_start3A_13 : memref<512xf32, #tpu.memory_space<hbm>>) target_semaphore(%run_scoped3A : memref<!tpu.dma_semaphore, #tpu.memory_space<semaphore_mem>>)
      %dma_wait3A = tpu.memref_slice %arg5[%mul3A_12] : memref<16384xf32, #tpu.memory_space<hbm>> -> memref<512xf32, #tpu.memory_space<hbm>>
      %dma_wait3A_14 = tpu.memref_slice %arg5[%mul3A_12] : memref<16384xf32, #tpu.memory_space<hbm>> -> memref<512xf32, #tpu.memory_space<hbm>>
      tpu.wait_dma2 semaphore(%run_scoped3A : memref<!tpu.dma_semaphore, #tpu.memory_space<semaphore_mem>>) src(%arg8 : memref<512xf32, #tpu.memory_space<vmem>>) dst(%dma_wait3A_14 : memref<512xf32, #tpu.memory_space<hbm>>)
      tpu.yield
    }) : () -> ()
    return
  }
}

module attributes {stable_mosaic.version = 14 : i64} {
  func.func @_pad_body(%arg0: i32, %arg1: memref<2048x200xi32, #tpu.memory_space<vmem>>, %arg2: memref<2048x256xi32, #tpu.memory_space<vmem>>) attributes {dimension_semantics = [#tpu.dimension_semantics<arbitrary>], iteration_bounds = array<i64: 8>, scalar_prefetch = 0 : i64, scratch_operands = 0 : i64, tpu.core_type = #tpu.core_type<tc>, window_params = [{transform_indices = @transform_0, window_bounds = array<i64: 2048, 200>}, {transform_indices = @transform_1, window_bounds = array<i64: 2048, 256>}]} {
    %get3A = arith.constant 0 : index
    %get3A_0 = arith.constant 0 : index
    %get3A_1 = vector.load %arg1[%get3A, %get3A_0] : memref<2048x200xi32, #tpu.memory_space<vmem>>, vector<2048x200xi32>
    %swap3A = arith.constant 0 : index
    %swap3A_2 = arith.constant 0 : index
    %swap3A_3 = vector.load %arg2[%swap3A, %swap3A_2] : memref<2048x256xi32, #tpu.memory_space<vmem>>, vector<2048x200xi32>
    tpu.vector_store %arg2[%swap3A, %swap3A_2], %get3A_1 {strides = array<i32>} : memref<2048x256xi32, #tpu.memory_space<vmem>>, vector<2048x200xi32>,
    %broadcast_in_dim3A = arith.constant 0 : i32
    %broadcast_in_dim3A_4 = vector.broadcast %broadcast_in_dim3A : i32 to vector<2048x56xi32>
    %swap3A_5 = arith.constant 0 : index
    %swap3A_6 = arith.constant 200 : index
    %swap3A_7 = vector.load %arg2[%swap3A_5, %swap3A_6] : memref<2048x256xi32, #tpu.memory_space<vmem>>, vector<2048x56xi32>
    tpu.vector_store %arg2[%swap3A_5, %swap3A_6], %broadcast_in_dim3A_4 {strides = array<i32>} : memref<2048x256xi32, #tpu.memory_space<vmem>>, vector<2048x56xi32>,
    return
  }
  func.func @transform_0(%arg0: i32) -> (i32, i32) {
    %c0_i32 = arith.constant 0 : i32
    %c0_i32_0 = arith.constant 0 : i32
    return %arg0, %c0_i32 : i32, i32
  }
  func.func @transform_1(%arg0: i32) -> (i32, i32) {
    %c0_i32 = arith.constant 0 : i32
    %c0_i32_0 = arith.constant 0 : i32
    return %arg0, %c0_i32 : i32, i32
  }
}

module attributes {stable_mosaic.version = 14 : i64} {
  func.func @_matvec_body(%arg0: i32, %arg1: memref<12800x128xf32, #tpu.memory_space<vmem>>, %arg2: memref<8192x128xf32, #tpu.memory_space<vmem>>, %arg3: memref<200x128xf32, #tpu.memory_space<vmem>>) attributes {dimension_semantics = [#tpu.dimension_semantics<arbitrary>], iteration_bounds = array<i64: 40>, scalar_prefetch = 0 : i64, scratch_operands = 0 : i64, tpu.core_type = #tpu.core_type<tc>, window_params = [{transform_indices = @transform_0, window_bounds = array<i64: 12800, 128>}, {pipeline_mode = #tpu.pipeline_mode<synchronous>, transform_indices = @transform_1, window_bounds = array<i64: 8192, 128>}, {transform_indices = @transform_2, window_bounds = array<i64: 200, 128>}]} {
    %get3A = arith.constant 0 : index
    %get3A_0 = arith.constant 0 : index
    %get3A_1 = vector.load %arg1[%get3A, %get3A_0] : memref<12800x128xf32, #tpu.memory_space<vmem>>, vector<12800x128xf32>
    %reshape3A = vector.shape_cast %get3A_1 : vector<12800x128xf32> to vector<200x8192xf32>
    %get3A_2 = arith.constant 0 : index
    %get3A_3 = arith.constant 0 : index
    %get3A_4 = vector.load %arg2[%get3A_2, %get3A_3] : memref<8192x128xf32, #tpu.memory_space<vmem>>, vector<8192x128xf32>
    %dot_general3A = arith.constant dense<0.000000e+00> : vector<200x128xf32>
    %dot_general3A_5 = tpu.matmul %reshape3A, %get3A_4, %dot_general3A {dimension_numbers = #tpu.dot_dimension_numbers<[1], [0], [0], [1], [0, 0, 1, 1], [], []>, transpose_lhs_hint = false} : vector<200x8192xf32>, vector<8192x128xf32>, vector<200x128xf32> -> vector<200x128xf32>
    %swap3A = arith.constant 0 : index
    %swap3A_6 = arith.constant 0 : index
    %swap3A_7 = vector.load %arg3[%swap3A, %swap3A_6] : memref<200x128xf32, #tpu.memory_space<vmem>>, vector<200x128xf32>
    tpu.vector_store %arg3[%swap3A, %swap3A_6], %dot_general3A_5 {strides = array<i32>} : memref<200x128xf32, #tpu.memory_space<vmem>>, vector<200x128xf32>,
    return
  }
  func.func @transform_0(%arg0: i32) -> (i32, i32) {
    %c0_i32 = arith.constant 0 : i32
    %c0_i32_0 = arith.constant 0 : i32
    return %arg0, %c0_i32 : i32, i32
  }
  func.func @transform_1(%arg0: i32) -> (i32, i32) {
    %c0_i32 = arith.constant 0 : i32
    %c0_i32_0 = arith.constant 0 : i32
    %c0_i32_1 = arith.constant 0 : i32
    return %c0_i32, %c0_i32_0 : i32, i32
  }
  func.func @transform_2(%arg0: i32) -> (i32, i32) {
    %c0_i32 = arith.constant 0 : i32
    %c0_i32_0 = arith.constant 0 : i32
    return %arg0, %c0_i32 : i32, i32
  }
}

</mosaic_0001>

<sc_bundles>
// kernel: kernel.5.cloned.1.call-start
scs
__scs_entry_jumppad:
0x0: {  	(pc) =	sbr.rel $0x88, $3  }
0x1: {  	(tag) =	ssettag $0x0;
	lr =	simm.s32 $0x1  }
0x2: {  	[smem:$0x3F9D] =	sst lr;
	_ =	strace $0xD0000000  }
0x3: {  	_ = 	snop  }
0x4: {  	_ = 	snop  }
0x5: {  	_ = 	snop  }
0x6: {  	_ = 	snop  }
0x7: {  	_ = 	snop  }
__scs_overlays_trampoline_lowered:
0x8: {  	[smem:$0x3FAC] =	sst s0  }
0x9: {  	[smem:$0x3FAD] =	sst s1  }
0xa: {  	[smem:$0x3FAE] =	sst s2  }
0xb: {  	[smem:$0x3FAF] =	sst s3  }
0xc: {  	[smem:$0x3FB0] =	sst s4  }
0xd: {  	[smem:$0x3FB1] =	sst s5  }
0xe: {  	[smem:$0x3FB2] =	sst s6  }
0xf: {  	[smem:$0x3FB3] =	sst s7  }
0x10: {  	[smem:$0x3FB4] =	sst s8  }
0x11: {  	[smem:$0x3FB5] =	sst s9;
	s0 =	simm.s32 @!p0 $0x0  }
0x12: {  	s1 =	sld [smem:$0x3F9B];
	s0 =	simm.s32 @p0 $0x1  }
0x13: {  	[smem:$0x3FB6] =	sst s0;
	s0 =	simm.s32 @!p1 $0x0  }
0x14: {  	s2 =	sld [smem:$0x3F9A];
	s0 =	simm.s32 @p1 $0x1  }
0x15: {  	[smem:$0x3FB7] =	sst s0;
	s0 =	simm.s32 @!p2 $0x0  }
0x16: {  	s3 =	sld [smem:$0x3FDB];
	s0 =	simm.s32 @p2 $0x1  }
0x17: {  	s4 =	simm.s32 $0x1BF5;
	[smem:$0x3FB9] =	sst s0  }
0x18: {  	s0 =	sld [smem:$0x3F9C];
	_ =	swait.ge [sflag:s4], $0x0  }
0x19: {  	s7 =	sld [smem:$0x3F9D]  }
0x1a: {  	s8 =	sadd.s32 $0xFFFFE003, lr  }
0x1b: {  	s9 =	sadd.s32 $0xFFFFFEF7, lr;
	s5 =	simm.s32 $0xFFFFFFFF;
	p2 =	slt.u32 s8, $0xFFFFF086  }
0x1c: {  	p1 =	slt.u32 s9, $0xF7A;
	s5 =	simm.s32 @!p2 $0x0  }
0x1d: {  	s5 =	simm.s32 @p1 $0x1;
	p0 =	seq.s32 s7, s2  }
0x1e: {  	s7 =	smul.u32 @!p0 $0xF7A, s2;
	p2 =	seq.s32 @!p0 s5, $0x0  }
0x1f: {  	s9 =	smul.u32 $0xF7A, s1;
	s8 =	simm.s32 @!p0 $0x1BF5;
	p2 =	por !p2, p0  }
0x20: {  	[sflag:s8] =	ssyncset.s32 @!p0 $0xFFFFF086;
	s6 =	sadd.s32 @!p0 s3, s7;
	s7 =	simm.s32 @!p0 $0x108  }
0x21: {  	s3 =	sadd.s32 s3, s9;
	s6 =	sadd.s32 @!p0 $0x88, s6;
	s7 =	simm.s32 @p2 $0x1082  }
0x22: {  	[simem:s7], [sflag:s8] =	dma.local @!p0 [hbm:s6], $0xF7A  }
0x23: {  	s9 =	sor.u32 $0xD0000000, s2;
	s6 =	simm.s32 $0x108;
	_ =	swait.ge @!p0 [sflag:s8], $0x0  }
0x24: {  	s3 =	sadd.s32 $0x88, s3;
	s6 =	simm.s32 @!p1 $0x1082;
	[sflag:s4] =	ssyncset.s32 $0xFFFFF086  }
0x25: {  	[simem:s6], [sflag:s4] =	dma.local [hbm:s3], $0xF7A  }
0x26: {  	[smem:$0x3F9D] =	sst s1;
	(tag) =	ssettag s2;
	_ =	strace s9  }
0x27: {  	s1 =	sld [smem:$0x3FAD]  }
0x28: {  	s2 =	sld [smem:$0x3FAE]  }
0x29: {  	s4 =	sld [smem:$0x3FB0]  }
0x2a: {  	p0 =	seq.s32 s5, $0x0;
	s5 =	sld [smem:$0x3FB1]  }
0x2b: {  	s6 =	sld [smem:$0x3FB2]  }
0x2c: {  	s7 =	sld [smem:$0x3FB3]  }
0x2d: {  	s3 =	simm.s32 $0x108;
	s8 =	sld [smem:$0x3FB4]  }
0x2e: {  	s3 =	simm.s32 @!p0 $0x1082;
	s9 =	sld [smem:$0x3FB5]  }
0x2f: {  	lr =	sadd.s32 s0, s3;
	s0 =	sld [smem:$0x3FAC]  }
0x30: {  	s3 =	sld [smem:$0x3FAF]  }
0x31: {  	[smem:$0x3FB8] =	sst s10  }
0x32: {  	s10 =	sld [smem:$0x3FB6];
	_ =	sdelay $0x3  }
0x33: {  	p0 =	seq.s32 s10, $0x1;
	s10 =	sld [smem:$0x3FB8];
	_ =	sdelay $0x3  }
0x34: {  	[smem:$0x3FB8] =	sst s10  }
0x35: {  	s10 =	sld [smem:$0x3FB7];
	_ =	sdelay $0x3  }
0x36: {  	p1 =	seq.s32 s10, $0x1;
	s10 =	sld [smem:$0x3FB8];
	_ =	sdelay $0x3  }
0x37: {  	[smem:$0x3FB8] =	sst s10  }
0x38: {  	s10 =	sld [smem:$0x3FB9]  }
0x39: {  	_ = 	snop;
	(pc) =	sbr.ind lr, $3  }
0x3a: {  	_ = 	snop  }
0x3b: {  	_ = 	snop  }
0x3c: {  	p2 =	seq.s32 s10, $0x1;
	s10 =	sld [smem:$0x3FB8]  }
0x3d: {  	_ =	shalt  }
0x3e: {  	_ =	shalt  }
0x3f: {  	_ =	shalt  }
0x40: {  	_ =	shalt  }
0x41: {  	_ =	shalt  }
0x42: {  	_ =	shalt  }
0x43: {  	_ =	shalt  }
0x44: {  	_ =	shalt  }
0x45: {  	_ =	shalt  }
0x46: {  	_ =	shalt  }
0x47: {  	_ =	shalt  }
0x48: {  	_ =	shalt  }
0x49: {  	_ =	shalt  }
0x4a: {  	_ =	shalt  }
0x4b: {  	_ =	shalt  }
0x4c: {  	_ =	shalt  }
0x4d: {  	_ =	shalt  }
0x4e: {  	_ =	shalt  }
0x4f: {  	_ =	shalt  }
0x50: {  	_ =	shalt  }
0x51: {  	_ =	shalt  }
0x52: {  	_ =	shalt  }
0x53: {  	_ =	shalt  }
0x54: {  	_ =	shalt  }
0x55: {  	_ =	shalt  }
0x56: {  	_ =	shalt  }
0x57: {  	_ =	shalt  }
0x58: {  	_ =	shalt  }
0x59: {  	_ =	shalt  }
0x5a: {  	_ =	shalt  }
0x5b: {  	_ =	shalt  }
0x5c: {  	_ =	shalt  }
0x5d: {  	_ =	shalt  }
0x5e: {  	_ =	shalt  }
0x5f: {  	_ =	shalt  }
0x60: {  	_ =	shalt  }
0x61: {  	_ =	shalt  }
0x62: {  	_ =	shalt  }
0x63: {  	_ =	shalt  }
0x64: {  	_ =	shalt  }
0x65: {  	_ =	shalt  }
0x66: {  	_ =	shalt  }
0x67: {  	_ =	shalt  }
0x68: {  	_ =	shalt  }
0x69: {  	_ =	shalt  }
0x6a: {  	_ =	shalt  }
0x6b: {  	_ =	shalt  }
0x6c: {  	_ =	shalt  }
0x6d: {  	_ =	shalt  }
0x6e: {  	_ =	shalt  }
0x6f: {  	_ =	shalt  }
0x70: {  	_ =	shalt  }
0x71: {  	_ =	shalt  }
0x72: {  	_ =	shalt  }
0x73: {  	_ =	shalt  }
0x74: {  	_ =	shalt  }
0x75: {  	_ =	shalt  }
0x76: {  	_ =	shalt  }
0x77: {  	_ =	shalt  }
0x78: {  	_ =	shalt  }
0x79: {  	_ =	shalt  }
0x7a: {  	_ =	shalt  }
0x7b: {  	_ =	shalt  }
0x7c: {  	_ =	shalt  }
0x7d: {  	_ =	shalt  }
0x7e: {  	_ =	shalt  }
0x7f: {  	_ =	shalt  }
0x80: {  	_ =	shalt  }
0x81: {  	_ =	shalt  }
0x82: {  	_ =	shalt  }
0x83: {  	_ =	shalt  }
0x84: {  	_ =	shalt  }
0x85: {  	_ =	shalt  }
0x86: {  	_ =	shalt  }
0x87: {  	_ =	shalt  }
.Lfunc_end0:
.L_simem_size_0:
called_computation_lowered:
.L_overlay_start_0:
0x88: {  	s2 =	sld [smem:$0x3FD9]  }
0x89: {  	s3 =	sld [smem:$0x3FFE];
	_ =	sdelay $0x1  }
0x8a: {  	s1 =	srdreg.scid  }
0x8b: {  	s0 =	sand.u32 $0x1, s1  }
0x8c: {  	s17 =	sshll.u32 s0, $0xA;
	s2 =	sadd.s32 s3, s2  }
0x8d: {  	s2 =	sadd.s32 s2, s17  }
0x8e: {  	[smem:$0x3FC4] =	sst s2  }
0x8f: {  	_ = 	snop  }
0x90: {  	s2 =	sld [smem:$0x3FD0];
	(tm) =	ssettm $0x1  }
0x91: {  	s18 =	sld [smem:$0x3FFB];
	_ =	sdelay $0x3  }
0x92: {  	_ =	strace s18  }
0x93: {  	s3 =	sld [smem:$0x3FFC];
	_ =	sdelay $0x3  }
0x94: {  	_ =	strace s3  }
0x95: {  	s3 =	sld [smem:$0x3FFD];
	_ =	sdelay $0x3  }
0x96: {  	_ =	strace s3  }
0x97: {  	_ =	strace $0x8FFFFFFF  }
0x98: {  	s19 =	sld [smem:$0x3FDB];
	_ =	sdelay $0x1  }
0x99: {  	s4 =	simm.s32 $_scs_section_size  }
0x9a: {  	s5 =	simm.s32 $_size__tile_overlayer_lowered;
	s6 =	simm.s32 $_tile_overlayer_lowered  }
0x9b: {  	s22 =	simm.s32 $0x1BFF;
	s21 =	sshll.u32 s6, $0x1;
	s3 =	sadd.s32 s4, s19  }
0x9c: {  	s7 =	simm.s32 $0x0;
	s20 =	sshll.u32 s5, $0x1;
	s5 =	sadd.s32 s21, s3  }
0x9d: {  	[timem:s7], [sflag:s22] =	dma.local [hbm:s5], s20  }
0x9e: {  	_ =	swait.ge [sflag:s22], s20  }
0x9f: {  	s4 =	ssub.s32 $0x0, s20;
	[sflag:s22] =	ssyncset.done $0x0  }
0xa0: {  	[sflag:s22] =	ssyncadd.s32 s4;
	_ =	sdelay $0x1  }
0xa1: {  	s23 =	simm.s32 $0x1B8B  }
0xa2: {  	_ =	swait.ge [sflag:s23], $0x1  }
0xa3: {  	[sflag:s23] =	ssyncset.done $0x0  }
0xa4: {  	s25 =	simm.s32 $0x1B8E;
	s24 =	sld [smem:$0x3FFE];
	[sflag:s23] =	ssyncadd.s32 $0xFFFFFFFF  }
0xa5: {  	s26 =	simm.s32 $execute0_lowered;
	[smem:$0x3FD2] =	sst s25  }
0xa6: {  	s5 =	sshll.u32 s26, $0x1;
	_ =	strace $0x80000046;
	[dreg:$0x1] =	wrdreg $0xFFFFFFFF  }
0xa7: {  	s28 =	simm.s32 $_size_execute0_lowered;
	s3 =	sadd.s32 s3, s5;
	[dreg:$0x0] =	wrdreg $0x0  }
0xa8: {  	s5 =	sshll.u32 s28, $0x1;
	[dreg:$0x2] =	wrdreg s3  }
0xa9: {  	[dreg:$0x3] =	wrdreg s5  }
0xaa: {  	[dreg:$0x4] =	wrdreg $0xC0  }
0xab: {  	_ =	task [dreg:s7], $0x5FFFF  }
0xac: {  	[dreg:$0x1] =	wrdreg $0xFFFFFFFF  }
0xad: {  	[dreg:$0x0] =	wrdreg $0x60  }
0xae: {  	[dreg:$0x2] =	wrdreg s24  }
0xaf: {  	[dreg:$0x3] =	wrdreg s2  }
0xb0: {  	[dreg:$0x4] =	wrdreg $0x9  }
0xb1: {  	_ =	task.clear_ibuf [dreg:s7], $0x5FFFF;
	_ =	strace $0x90000046  }
0xb2: {  	s29 =	simm.s32 $0x9;
	_ =	strace $0x80000048  }
0xb3: {  	_ =	swait.ge [sflag:s29], $0x1  }
0xb4: {  	[sflag:s29] =	ssyncadd.s32 $0xFFFFFFFF  }
0xb5: {  	_ =	strace $0x90000048  }
0xb6: {  	_ =	sfence  }
0xb7: {  	s30 =	sld [smem:$0x0];
	_ =	sdelay $0x2  }
0xb8: {  	s31 =	sshll.u32 s1, $0xD;
	s1 =	sshrl.u32 s1, $0x2  }
0xb9: {  	s3 =	sand.u32 $0x4000, s31;
	s1 =	sadd.s32 s1, s30  }
0xba: {  	s0 =	sor.u32 s3, s0;
	s1 =	sshll.u32 s1, $0x11  }
0xbb: {  	s0 =	sor.u32 s1, s0  }
0xbc: {  	s0 =	sadd.s32 $0x8F2B, s0  }
0xbd: {  	[sflag:s0] =	ssyncadd.remote.s32 $0x1  }
0xbe: {  	_ =	sfence.sel $0xFFFF  }
0xbf: {  	[dreg:$0x0] =	wrdreg $0xFFFFFFFF;
	(pc) =	sbr.abs _section_cstart, $3  }
0xc0: {  	[dreg:$0x1] =	wrdreg $0xFFFFFFFF  }
0xc1: {  	_ =	task.clear_ibuf [dreg:s7], $0x2FFFF;
	_ =	strace $0x9FFFFFFF  }
0xc2: {  	(tm) =	ssettm $0x7FFFFFFF  }
0xc3: {  	_ =	shalt  }
tec
execute0_lowered:
.L_overlay_start_1:
0x0: {  	(tag) =	ssettag $0x1  }
0x1: {  	s4 =	rddreg [dreg:$0x0]  }
0x2: {  	s6 =	rddreg [dreg:$0x1]  }
0x3: {  	s0 =	rddreg [dreg:$0x2]  }
0x4: {  	s3 =	srdreg.scid;
	s1 =	stileid.u32  }
0x5: {  	s2 =	simm.s32 $0x0;
	s10 =	simm.s32 $0x1000;
	s11 =	simm.s32 $0x1  }
0x6: {  	s12 =	simm.s32 $0x2000;
	s13 =	simm.s32 $0x0;
	s16 =	simm.s32 $0x0  }
0x7: {  	s3 =	sand.u32 $0x1, s3;
	s5 =	sshll.u32 s1, $0x1;
	[smem:$0x7FF] =	sst s2  }
0x8: {  	s5 =	sor.u32 s3, s5;
	_ =	strace $0x80000047;
	s8 =	ssub.s32 $0x2, s3  }
0x9: {  	s3 =	sadd.s32 $0x80E00, s4;
	s7 =	sshll.u32 s5, $0xE;
	s9 =	sshrl.u32 s8, $0x1  }
0xa: {  	v0 =	vlaneseq.u32;
	s31 =	sshll.u32 s5, $0x6;
	s7 =	sadd.s32 s7, s4;
	s4 =	sadd.s32 $0xA0200, s4  }
0xb: {  	v0 =	vmul.u32 $0x100, v0;
	s8 =	ssub.s32 s8, s9;
	s6 =	sadd.s32 s6, s31;
	s9 =	simm.s32 $0x2  }
0xc: {  	s5 =	sadd.s32 $0xC00, s7;
	s7 =	smax.u32 s8, $0x1;
	s8 =	simm.s32 $0x2200  }
.LBB2_1:
0xd: {  	[tilespmem:s8], [sflag:$0x2] =	stream.linear.gather [hbm4b:s4+s2], $0x80, $0x38;
	[tilespmem:$0x2280] =	vst v63  }
0xe: {  	_ =	swait.ge [sflag:s9], $0x80  }
0xf: {  	[sflag:s9] =	ssyncset.done $0x0  }
0x10: {  	[sflag:s9] =	ssyncadd.s32 $0xFFFFFF80  }
0x11: {  	s14 =	simm.s32 $0x0;
	v1 =	vld [tilespmem:$0x2200]  }
.LBB2_2:
0x12: {  	s15 =	sshll.u32 s14, $0x9  }
0x13: {  	s15 =	sadd.s32 s15, s5  }
0x14: {  	[tilespmem:s16], [sflag:$0x2] =	stream.linear.gather [hbm4b:s15+s16], $0x1000, $0x38;
	[tilespmem:$0x2280] =	vst v63  }
0x15: {  	_ =	swait.ge [sflag:s9], $0x1000  }
0x16: {  	[sflag:s9] =	ssyncset.done $0x0  }
0x17: {  	v3 =	vor.u32 s16, v0;
	[sflag:s9] =	ssyncadd.s32 $0xFFFFF000  }
0x18: {  	[tilespmem:s10], [sflag:$0x1] =	stream.indirect.gather [hbm4b:s3+s10], $0x1, s16, s10, $0xb8;
	[tilespmem:$0x2280] =	vst v63  }
0x19: {  	_ =	swait.ge [sflag:s11], $0x1000  }
0x1a: {  	[sflag:s11] =	ssyncset.done $0x0  }
0x1b: {  	[sflag:s11] =	ssyncadd.s32 $0xFFFFF000  }
0x1c: {  	v2 =	vimm.f32 $0.0e+00;
	s15 =	simm.s32 $0x1;
	v3 =	vld.idx.msk [tilespmem:v3+s10+$0x0], $0xffff  }
.LBB2_3:
0x1d: {  	v4 =	vor.u32 s15, v0;
	p0 =	sne.s32 s15, $0xC7;
	s15 =	sadd.s32 $0x1, s15  }
.Ltmp0:
0x1e: {  	(pc) =	sbr.rel @p0 .LBB2_3-.Ltmp0, $2  }
0x1f: {  	_ =	sdelay $0x2  }
0x20: {  	v2 =	vadd.f32 v3, v2;
	v3 =	vld.idx.msk [tilespmem:v4+s10+$0x0], $0xffff  }
0x21: {  	_ =	sdelay $0x3  }
0x22: {  	v2 =	vadd.f32 v3, v2;
	_ =	sdelay $0x1  }
0x23: {  	v2 =	vmul.f32 $4.999999890e-03, v2;
	_ =	sdelay $0x1  }
0x24: {  	v2 =	vadd.f32 v2, v1;
	_ =	sdelay $0x1  }
0x25: {  	v2 =	vsub.f32 $0.0e+00, v2;
	_ =	sdelay $0x1  }
0x26: {  	v2 =	vmul.f32 $1.442695020e+00, v2;
	_ =	sdelay $0x1  }
0x27: {  	(erf) = vpow2.f32 v2;
	_ =	sdelay $0x8  }
0x28: {  	v2 =	vpop (erf)  }
0x29: {  	v2 =	vadd.f32 $1.000000000e+00, v2;
	_ =	sdelay $0x1  }
0x2a: {  	(erf) = vrcp.f32 v2;
	_ =	sdelay $0x3  }
0x2b: {  	s15 =	sshll.u32 s14, $0x4;
	s14 =	sadd.s32 $0x1, s14  }
0x2c: {  	p0 =	sne.s32 s14, $0x20  }
.Ltmp1:
0x2d: {  	_ = 	snop;
	(pc) =	sbr.rel @p0 .LBB2_2-.Ltmp1, $3  }
0x2e: {  	_ =	sdelay $0x1  }
0x2f: {  	s15 =	sand.u32 $0x3FFFFFF0, s15;
	v2 =	vpop (erf)  }
0x30: {  	[tilespmem:s15+$0x2000] =	vst v2  }
0x31: {  	s13 =	sadd.s32 $0x1, s13  }
0x32: {  	p0 =	sne.s32 s13, s7  }
.Ltmp2:
0x33: {  	_ = 	snop;
	(pc) =	sbr.rel @p0 .LBB2_1-.Ltmp2, $4  }
0x34: {  	[hbm4b:s6+s2] =	stream.linear.scatter [tilespmem:s12], [sflag:$0x2], $0x200, $0x38;
	[tilespmem:$0x2280] =	vst v63  }
0x35: {  	_ =	swait.ge [sflag:s9], $0x200  }
0x36: {  	[sflag:s9] =	ssyncset.done $0x0  }
0x37: {  	[sflag:s9] =	ssyncadd.s32 $0xFFFFFE00  }
0x38: {  	_ =	sfence.sel $0x180000  }
0x39: {  	[bflag:$0x0] =	sbarrier.arrive $0xFFFF  }
0x3a: {  	p0 =	sne.s32 s1, $0x0;
	_ =	strace $0x90000047  }
0x3b: {  	s0 =	sadd.s32 @!p0 $0x100000, s0;
	[bflag:$0x2] =	sbarrier.arrive $0xFFFF  }
0x3c: {  	[sflag:s0] =	ssyncadd.tile.s32 @!p0 $0x1;
	_ =	shalt  }
.Lfunc_end2:
_tile_overlayer_lowered:
.L_overlay_start_2:
0x3d: {  	(tag) =	ssettag $0x2  }
0x3e: {  	s0 =	rddreg [dreg:$0x0];
	s2 =	stileid.u32  }
0x3f: {  	s1 =	rddreg [dreg:$0x1];
	p0 =	sne.s32 s2, $0x0  }
0x40: {  	s3 =	rddreg [dreg:$0x2];
	[bflag:$0x3] =	sbarrier.arrive $0xFFFF;
	s2 =	simm.s32 @!p0 $0x1C02  }
0x41: {  	[timem:s3], [sflag:s2] =	dma.local @!p0 [hbm:s0], s1  }
0x42: {  	s0 =	simm.s32 @!p0 $0x2  }
0x43: {  	_ =	swait.ge @!p0 [sflag:s0], s1  }
0x44: {  	s1 =	ssub.s32 @!p0 $0x0, s1;
	[sflag:s0] =	ssyncset.done @!p0 $0x0  }
0x45: {  	[sflag:s0] =	ssyncadd.s32 @!p0 s1  }
0x46: {  	[bflag:$0x3] =	sbarrier.arrive $0xFFFF  }
0x47: {  	_ =	shalt  }

</sc_bundles>
